<compile_context>
chip_gen: v7x
topology: tpu7x:2x2x1
jax: 0.10.2.dev20260603
libtpu: 0.0.44.dev20260713+nightly
codegen_flags: <defaults>
</compile_context>

<pallas_src>
import functools

import jax
import jax.numpy as jnp
from jax import lax
from jax.experimental import pallas as pl
from jax.experimental.pallas import tpu as pltpu
from jax.experimental.pallas import tpu_sc as plsc

B, F, N, K = 8, 64, 256, 512
NC, NS, L = 2, 16, 16
NW = NC * NS
TOK = B * N
TPW = TOK // NW


def _split(a):
    hi = a.astype(jnp.bfloat16)
    lo = (a - hi.astype(jnp.float32)).astype(jnp.bfloat16)
    return hi, lo


def _bdot(a, b, dims):
    return lax.dot_general(a, b, (dims, ((), ())),
                           preferred_element_type=jnp.float32)


def _gt(x_ref, emb_ref):
    xb = x_ref[0]
    emb = emb_ref[...]
    xh, xl = _split(xb)
    eh, el = _split(emb)
    cd = ((1,), (0,))
    dotT = (_bdot(eh, xh, cd) + _bdot(eh, xl, cd)
            + _bdot(el, xh, cd))
    c2 = jnp.sum(emb * emb, axis=1, keepdims=True)
    return c2 - 2.0 * dotT


def _argmin_body(x_ref, emb_ref, idx_ref):
    gT = _gt(x_ref, emb_ref)
    minv = jnp.min(gT, axis=0, keepdims=True)
    iota = lax.broadcasted_iota(jnp.int32, (K, N), 0)
    idx_ref[0] = jnp.min(jnp.where(gT == minv, iota, K), axis=0, keepdims=True)


def _dist_body(x_ref, emb_ref, dist_ref):
    xb = x_ref[0]
    x2 = jnp.sum(xb * xb, axis=0, keepdims=True)
    dist_ref[0] = (_gt(x_ref, emb_ref) + x2).T


_sc_mesh = plsc.VectorSubcoreMesh(core_axis_name="c", subcore_axis_name="s")


@functools.partial(
    pl.kernel,
    mesh=_sc_mesh,
    out_type=jax.ShapeDtypeStruct((B * F, N), jnp.float32),
    scratch_types=[
        pltpu.VMEM((TPW,), jnp.int32),
        pltpu.VMEM((TPW, F), jnp.float32),
        pltpu.VMEM((F, TPW), jnp.float32),
        pltpu.SemaphoreType.DMA,
    ],
    compiler_params=pltpu.CompilerParams(use_tc_tiling_on_sc=False,
                                         needs_layout_passes=False),
)
def _sc_gather_t(table_hbm, idx_hbm, out_hbm, idx_v, rows_v, trans_v, sem):
    wid = lax.axis_index("s") * NC + lax.axis_index("c")
    base = wid * TPW
    b = wid // (N // TPW)
    c0 = (wid % (N // TPW)) * TPW
    pltpu.sync_copy(idx_hbm.at[pl.ds(base, TPW)], idx_v)
    pltpu.async_copy(table_hbm.at[idx_v], rows_v, sem).wait()
    lane = lax.iota(jnp.int32, L)
    rows = [lane + (L * j) for j in range(TPW // L)]

    def _tr(f, _):
        col = jnp.zeros((L,), jnp.int32) + f
        for j in range(TPW // L):
            trans_v[f, pl.ds(L * j, L)] = plsc.load_gather(
                rows_v, [rows[j], col])
        return _

    lax.fori_loop(0, F, _tr, None)
    pltpu.sync_copy(trans_v, out_hbm.at[pl.ds(b * F, F), pl.ds(c0, TPW)])


def kernel(x, emb_weight):
    idx = pl.pallas_call(
        _argmin_body,
        grid=(B,),
        in_specs=[
            pl.BlockSpec((1, F, N), lambda b: (b, 0, 0)),
            pl.BlockSpec((K, F), lambda b: (0, 0)),
        ],
        out_specs=pl.BlockSpec((1, 1, N), lambda b: (b, 0, 0)),
        out_shape=jax.ShapeDtypeStruct((B, 1, N), jnp.int32),
    )(x, emb_weight)
    q = _sc_gather_t(emb_weight, idx.reshape(TOK))
    dist = pl.pallas_call(
        _dist_body,
        grid=(B,),
        in_specs=[
            pl.BlockSpec((1, F, N), lambda b: (b, 0, 0)),
            pl.BlockSpec((K, F), lambda b: (0, 0)),
        ],
        out_specs=pl.BlockSpec((1, N, K), lambda b: (b, 0, 0)),
        out_shape=jax.ShapeDtypeStruct((B, N, K), jnp.float32),
    )(x, emb_weight)
    return q.reshape(B, F, N), dist

# --- scband reference (transcript-rebuilt; emitter-appended) ---
"""Pipeline reference for scband-vqlayer-9947144257863 (READ-ONLY COPY).

The authoritative reference and input builder live on the scoring server;
editing this copy changes nothing except your own understanding.
"""

import jax, jax.numpy as jnp
import numpy as np


def setup_inputs(seed: int = 0) -> dict:
    key = jax.random.key(seed)
    k1, k2 = jax.random.split(key)
    x = jax.random.normal(k1, (8, 64, 256), dtype=jnp.float32)
    emb_weight = jax.random.normal(k2, (512, 64), dtype=jnp.float32) * 0.02
    return {"x": x, "emb_weight": emb_weight}


def reference(x, emb_weight):
    # x: [B, F, N] -> transpose(-1, -2) -> [B, N, F]
    xt = jnp.transpose(x, (0, 2, 1))
    # view [B, N, F, 1]
    xe = xt[:, :, :, None]
    # centers: emb.weight [K, F] -> transpose -> [F, K] -> view [1, 1, F, K]
    centers = jnp.transpose(emb_weight, (1, 0))[None, None, :, :]
    # dist: sum over feature dim -> [B, N, K]
    dist = jnp.sum((xe - centers) ** 2, axis=-2)
    # nearest code per token
    idxs = jnp.argmin(dist, axis=-1)  # [B, N]
    # embedding lookup (gather) -> [B, N, F]
    q = jnp.take(emb_weight, idxs, axis=0)
    # transpose back to [B, F, N]
    return (jnp.transpose(q, (0, 2, 1)), dist)

if __name__ == "__main__":
    import jax
    _d = setup_inputs()
    print(jax.jit(kernel)(*tuple(_d.values())))

</pallas_src>

<mosaic_0001>
#map = affine_map<(d0, d1) -> (0, 0)>
#map1 = affine_map<(d0, d1) -> (0)>
module attributes {stable_mosaic.version = 14 : i64} {
  func.func @_sc_gather_t(%arg0: i32, %arg1: i32, %arg2: memref<512x64xf32, #tpu.memory_space<hbm>>, %arg3: memref<2048xi32, #tpu.memory_space<hbm>>, %arg4: memref<512x256xf32, #tpu.memory_space<hbm>>, %arg5: memref<64xi32, #tpu.memory_space<vmem>>, %arg6: memref<64x64xf32, #tpu.memory_space<vmem>>, %arg7: memref<64x64xf32, #tpu.memory_space<vmem>>, %arg8: memref<!tpu.dma_semaphore, #tpu.memory_space<semaphore_mem>>) attributes {dimension_semantics = [#tpu.dimension_semantics<core_parallel>, #tpu.dimension_semantics<subcore_parallel>], iteration_bounds = array<i64: 2, 16>, scalar_prefetch = 0 : i64, scratch_operands = 4 : i64, tpu.core_type = #tpu.core_type<sc_vector_subcore>, window_params = [{transform_indices = #map}, {transform_indices = #map1}, {transform_indices = #map}]} {
    %mul3A = arith.constant 2 : i32
    %mul3A_0 = arith.muli %arg1, %mul3A : i32
    %add3A = arith.addi %mul3A_0, %arg0 : i32
    %mul3A_1 = arith.constant 64 : i32
    %mul3A_2 = arith.muli %add3A, %mul3A_1 : i32
    %jit3A = arith.constant 4 : i32
    %div3A = arith.divsi %add3A, %jit3A : i32
    %sign3A = arith.constant 0 : i32
    %sign3A_3 = arith.cmpi sgt, %add3A, %sign3A : i32
    %sign3A_4 = arith.extui %sign3A_3 : i1 to i32
    %sign3A_5 = arith.constant 0 : i32
    %sign3A_6 = arith.cmpi slt, %add3A, %sign3A_5 : i32
    %sign3A_7 = arith.extui %sign3A_6 : i1 to i32
    %sign3A_8 = arith.subi %sign3A_4, %sign3A_7 : i32
    %sign3A_9 = arith.constant 0 : i32
    %sign3A_10 = arith.cmpi sgt, %jit3A, %sign3A_9 : i32
    %sign3A_11 = arith.extui %sign3A_10 : i1 to i32
    %sign3A_12 = arith.constant 0 : i32
    %sign3A_13 = arith.cmpi slt, %jit3A, %sign3A_12 : i32
    %sign3A_14 = arith.extui %sign3A_13 : i1 to i32
    %sign3A_15 = arith.subi %sign3A_11, %sign3A_14 : i32
    %ne3A = arith.cmpi ne, %sign3A_8, %sign3A_15 : i32
    %rem3A = arith.remsi %add3A, %jit3A : i32
    %ne3A_16 = arith.constant 0 : i32
    %ne3A_17 = arith.cmpi ne, %rem3A, %ne3A_16 : i32
    %and3A = arith.andi %ne3A, %ne3A_17 : i1
    %sub3A = arith.constant 1 : i32
    %sub3A_18 = arith.subi %div3A, %sub3A : i32
    %select_n3A = arith.select %and3A, %sub3A_18, %div3A : i32
    %jit3A_19 = arith.constant 4 : i32
    %eq3A = arith.constant 0 : i32
    %eq3A_20 = arith.cmpi eq, %jit3A_19, %eq3A : i32
    %jit3A_21 = arith.constant 1 : i32
    %select_n3A_22 = arith.select %eq3A_20, %jit3A_21, %jit3A_19 : i32
    %rem3A_23 = arith.remsi %add3A, %select_n3A_22 : i32
    %ne3A_24 = arith.constant 0 : i32
    %ne3A_25 = arith.cmpi ne, %rem3A_23, %ne3A_24 : i32
    %lt3A = arith.constant 0 : i32
    %lt3A_26 = arith.cmpi slt, %rem3A_23, %lt3A : i32
    %lt3A_27 = arith.constant 0 : i32
    %lt3A_28 = arith.cmpi slt, %select_n3A_22, %lt3A_27 : i32
    %ne3A_29 = arith.xori %lt3A_26, %lt3A_28 : i1
    %and3A_30 = arith.andi %ne3A_29, %ne3A_25 : i1
    %add3A_31 = arith.addi %rem3A_23, %select_n3A_22 : i32
    %select_n3A_32 = arith.select %and3A_30, %add3A_31, %rem3A_23 : i32
    %mul3A_33 = arith.constant 64 : i32
    %mul3A_34 = arith.muli %select_n3A_32, %mul3A_33 : i32
    "tpu.region"() ({
      %run_scoped3A = tpu.sem_alloc : memref<!tpu.dma_semaphore, #tpu.memory_space<semaphore_mem>>
      %dma_start3A_57 = tpu.memref_slice %arg3[%mul3A_2] : memref<2048xi32, #tpu.memory_space<hbm>> -> memref<64xi32, #tpu.memory_space<hbm>>
      %dma_start3A_58 = tpu.memref_slice %arg3[%mul3A_2] : memref<2048xi32, #tpu.memory_space<hbm>> -> memref<64xi32, #tpu.memory_space<hbm>>
      tpu.enqueue_dma source(%dma_start3A_58 : memref<64xi32, #tpu.memory_space<hbm>>) target(%arg5 : memref<64xi32, #tpu.memory_space<vmem>>) target_semaphore(%run_scoped3A : memref<!tpu.dma_semaphore, #tpu.memory_space<semaphore_mem>>)
      %dma_wait3A_59 = tpu.memref_slice %arg3[%mul3A_2] : memref<2048xi32, #tpu.memory_space<hbm>> -> memref<64xi32, #tpu.memory_space<hbm>>
      %dma_wait3A_60 = tpu.memref_slice %arg3[%mul3A_2] : memref<2048xi32, #tpu.memory_space<hbm>> -> memref<64xi32, #tpu.memory_space<hbm>>
      tpu.wait_dma2 semaphore(%run_scoped3A : memref<!tpu.dma_semaphore, #tpu.memory_space<semaphore_mem>>) src(%dma_wait3A_60 : memref<64xi32, #tpu.memory_space<hbm>>) dst(%arg5 : memref<64xi32, #tpu.memory_space<vmem>>)
      tpu.yield
    }) : () -> ()
    %dma_start3A = arith.constant 0 : i32
    %dma_start3A_35 = arith.constant 0 : i32
    %dma_start3A_36 = tpu.memref_slice %arg2[%dma_start3A, %dma_start3A_35] : memref<512x64xf32, #tpu.memory_space<hbm>> -> memref<512x64xf32, #tpu.memory_space<hbm>>
    tpu.enqueue_indirect_dma source(%dma_start3A_36 : memref<512x64xf32, #tpu.memory_space<hbm>>) target(%arg6 : memref<64x64xf32, #tpu.memory_space<vmem>>) offsets(%arg5 : memref<64xi32, #tpu.memory_space<vmem>>) semaphore(%arg8 : memref<!tpu.dma_semaphore, #tpu.memory_space<semaphore_mem>>)
    %dma_wait3A = arith.constant 0 : i32
    %dma_wait3A_37 = arith.constant 0 : i32
    %dma_wait3A_38 = tpu.memref_slice %arg2[%dma_wait3A, %dma_wait3A_37] : memref<512x64xf32, #tpu.memory_space<hbm>> -> memref<512x64xf32, #tpu.memory_space<hbm>>
    tpu.wait_indirect_dma semaphore(%arg8 : memref<!tpu.dma_semaphore, #tpu.memory_space<semaphore_mem>>) src(%dma_wait3A_38 : memref<512x64xf32, #tpu.memory_space<hbm>>) dst(%arg6 : memref<64x64xf32, #tpu.memory_space<vmem>>)
    %iota3A = tpu.iota {dimensions = array<i32: 0>} : vector<16xi32>
    %add3A_39 = arith.constant 0 : i32
    %add3A_40 = vector.broadcast %add3A_39 : i32 to vector<16xi32>
    %add3A_41 = arith.addi %iota3A, %add3A_40 : vector<16xi32>
    %add3A_42 = arith.constant 16 : i32
    %add3A_43 = vector.broadcast %add3A_42 : i32 to vector<16xi32>
    %add3A_44 = arith.addi %iota3A, %add3A_43 : vector<16xi32>
    %add3A_45 = arith.constant 32 : i32
    %add3A_46 = vector.broadcast %add3A_45 : i32 to vector<16xi32>
    %add3A_47 = arith.addi %iota3A, %add3A_46 : vector<16xi32>
    %add3A_48 = arith.constant 48 : i32
    %add3A_49 = vector.broadcast %add3A_48 : i32 to vector<16xi32>
    %add3A_50 = arith.addi %iota3A, %add3A_49 : vector<16xi32>
    %scan3A = arith.constant 0 : i32
    %scan3A_51 = arith.constant 64 : i32
    %scan3A_52 = arith.addi %scan3A, %scan3A_51 : i32
    %scan3A_53 = arith.constant 1 : i32
    scf.for %scan3A_57 = %scan3A to %scan3A_52 step %scan3A_53  : i32 {
      %broadcast_in_dim3A = arith.constant 0 : i32
      %broadcast_in_dim3A_58 = vector.broadcast %broadcast_in_dim3A : i32 to vector<16xi32>
      %add3A_59 = vector.broadcast %scan3A_57 : i32 to vector<16xi32>
      %add3A_60 = arith.addi %broadcast_in_dim3A_58, %add3A_59 : vector<16xi32>
      %gather3A = tpu.vector_load_idx %arg6[%add3A_41, %add3A_60] : memref<64x64xf32, #tpu.memory_space<vmem>>[vector<16xi32>, vector<16xi32>], vector<16xf32>,
      %swap3A = arith.index_cast %scan3A_57 : i32 to index
      %swap3A_61 = arith.constant 0 : index
      %swap3A_62 = tpu.vector_load %arg7[%swap3A, %swap3A_61] {strides = array<i32>} : memref<64x64xf32, #tpu.memory_space<vmem>>, vector<16xf32>,
      tpu.vector_store %arg7[%swap3A, %swap3A_61], %gather3A {strides = array<i32>} : memref<64x64xf32, #tpu.memory_space<vmem>>, vector<16xf32>,
      %gather3A_63 = tpu.vector_load_idx %arg6[%add3A_44, %add3A_60] : memref<64x64xf32, #tpu.memory_space<vmem>>[vector<16xi32>, vector<16xi32>], vector<16xf32>,
      %swap3A_64 = arith.index_cast %scan3A_57 : i32 to index
      %swap3A_65 = arith.constant 16 : index
      %swap3A_66 = tpu.vector_load %arg7[%swap3A_64, %swap3A_65] {strides = array<i32>} : memref<64x64xf32, #tpu.memory_space<vmem>>, vector<16xf32>,
      tpu.vector_store %arg7[%swap3A_64, %swap3A_65], %gather3A_63 {strides = array<i32>} : memref<64x64xf32, #tpu.memory_space<vmem>>, vector<16xf32>,
      %gather3A_67 = tpu.vector_load_idx %arg6[%add3A_47, %add3A_60] : memref<64x64xf32, #tpu.memory_space<vmem>>[vector<16xi32>, vector<16xi32>], vector<16xf32>,
      %swap3A_68 = arith.index_cast %scan3A_57 : i32 to index
      %swap3A_69 = arith.constant 32 : index
      %swap3A_70 = tpu.vector_load %arg7[%swap3A_68, %swap3A_69] {strides = array<i32>} : memref<64x64xf32, #tpu.memory_space<vmem>>, vector<16xf32>,
      tpu.vector_store %arg7[%swap3A_68, %swap3A_69], %gather3A_67 {strides = array<i32>} : memref<64x64xf32, #tpu.memory_space<vmem>>, vector<16xf32>,
      %gather3A_71 = tpu.vector_load_idx %arg6[%add3A_50, %add3A_60] : memref<64x64xf32, #tpu.memory_space<vmem>>[vector<16xi32>, vector<16xi32>], vector<16xf32>,
      %swap3A_72 = arith.index_cast %scan3A_57 : i32 to index
      %swap3A_73 = arith.constant 48 : index
      %swap3A_74 = tpu.vector_load %arg7[%swap3A_72, %swap3A_73] {strides = array<i32>} : memref<64x64xf32, #tpu.memory_space<vmem>>, vector<16xf32>,
      tpu.vector_store %arg7[%swap3A_72, %swap3A_73], %gather3A_71 {strides = array<i32>} : memref<64x64xf32, #tpu.memory_space<vmem>>, vector<16xf32>,
    }
    %scan3A_54 = arith.constant 64 : i32
    %mul3A_55 = arith.constant 64 : i32
    %mul3A_56 = arith.muli %select_n3A, %mul3A_55 : i32
    "tpu.region"() ({
      %run_scoped3A = tpu.sem_alloc : memref<!tpu.dma_semaphore, #tpu.memory_space<semaphore_mem>>
      %dma_start3A_57 = tpu.memref_slice %arg4[%mul3A_56, %mul3A_34] : memref<512x256xf32, #tpu.memory_space<hbm>> -> memref<64x64xf32, #tpu.memory_space<hbm>>
      %dma_start3A_58 = tpu.memref_slice %arg4[%mul3A_56, %mul3A_34] : memref<512x256xf32, #tpu.memory_space<hbm>> -> memref<64x64xf32, #tpu.memory_space<hbm>>
      tpu.enqueue_dma source(%arg7 : memref<64x64xf32, #tpu.memory_space<vmem>>) target(%dma_start3A_58 : memref<64x64xf32, #tpu.memory_space<hbm>>) target_semaphore(%run_scoped3A : memref<!tpu.dma_semaphore, #tpu.memory_space<semaphore_mem>>)
      %dma_wait3A_59 = tpu.memref_slice %arg4[%mul3A_56, %mul3A_34] : memref<512x256xf32, #tpu.memory_space<hbm>> -> memref<64x64xf32, #tpu.memory_space<hbm>>
      %dma_wait3A_60 = tpu.memref_slice %arg4[%mul3A_56, %mul3A_34] : memref<512x256xf32, #tpu.memory_space<hbm>> -> memref<64x64xf32, #tpu.memory_space<hbm>>
      tpu.wait_dma2 semaphore(%run_scoped3A : memref<!tpu.dma_semaphore, #tpu.memory_space<semaphore_mem>>) src(%arg7 : memref<64x64xf32, #tpu.memory_space<vmem>>) dst(%dma_wait3A_60 : memref<64x64xf32, #tpu.memory_space<hbm>>)
      tpu.yield
    }) : () -> ()
    return
  }
}

module attributes {stable_mosaic.version = 14 : i64} {
  func.func @_argmin_body(%arg0: i32, %arg1: memref<1x64x256xf32, #tpu.memory_space<vmem>>, %arg2: memref<512x64xf32, #tpu.memory_space<vmem>>, %arg3: memref<1x1x256xi32, #tpu.memory_space<vmem>>) attributes {dimension_semantics = [#tpu.dimension_semantics<arbitrary>], iteration_bounds = array<i64: 8>, scalar_prefetch = 0 : i64, scratch_operands = 0 : i64, tpu.core_type = #tpu.core_type<tc>, window_params = [{transform_indices = @transform_0, window_bounds = array<i64: 1, 64, 256>}, {pipeline_mode = #tpu.pipeline_mode<synchronous>, transform_indices = @transform_1, window_bounds = array<i64: 512, 64>}, {transform_indices = @transform_2, window_bounds = array<i64: 1, 1, 256>}]} {
    %get3A = arith.constant 0 : index
    %get3A_0 = arith.constant 0 : index
    %get3A_1 = arith.constant 0 : index
    %get3A_2 = vector.load %arg1[%get3A, %get3A_0, %get3A_1] : memref<1x64x256xf32, #tpu.memory_space<vmem>>, vector<1x64x256xf32>
    %get3A_3 = vector.shape_cast %get3A_2 : vector<1x64x256xf32> to vector<64x256xf32>
    %get3A_4 = arith.constant 0 : index
    %get3A_5 = arith.constant 0 : index
    %get3A_6 = vector.load %arg2[%get3A_4, %get3A_5] : memref<512x64xf32, #tpu.memory_space<vmem>>, vector<512x64xf32>
    %convert_element_type3A = arith.truncf %get3A_3 : vector<64x256xf32> to vector<64x256xbf16>
    %convert_element_type3A_7 = arith.extf %convert_element_type3A : vector<64x256xbf16> to vector<64x256xf32>
    %sub3A = arith.subf %get3A_3, %convert_element_type3A_7 : vector<64x256xf32>
    %convert_element_type3A_8 = arith.truncf %sub3A : vector<64x256xf32> to vector<64x256xbf16>
    %convert_element_type3A_9 = arith.truncf %get3A_6 : vector<512x64xf32> to vector<512x64xbf16>
    %convert_element_type3A_10 = arith.extf %convert_element_type3A_9 : vector<512x64xbf16> to vector<512x64xf32>
    %sub3A_11 = arith.subf %get3A_6, %convert_element_type3A_10 : vector<512x64xf32>
    %convert_element_type3A_12 = arith.truncf %sub3A_11 : vector<512x64xf32> to vector<512x64xbf16>
    %dot_general3A = arith.constant dense<0.000000e+00> : vector<512x256xf32>
    %dot_general3A_13 = tpu.matmul %convert_element_type3A_9, %convert_element_type3A, %dot_general3A {dimension_numbers = #tpu.dot_dimension_numbers<[1], [0], [0], [1], [0, 0, 1, 1], [], []>, transpose_lhs_hint = false} : vector<512x64xbf16>, vector<64x256xbf16>, vector<512x256xf32> -> vector<512x256xf32>
    %dot_general3A_14 = arith.constant dense<0.000000e+00> : vector<512x256xf32>
    %dot_general3A_15 = tpu.matmul %convert_element_type3A_9, %convert_element_type3A_8, %dot_general3A_14 {dimension_numbers = #tpu.dot_dimension_numbers<[1], [0], [0], [1], [0, 0, 1, 1], [], []>, transpose_lhs_hint = false} : vector<512x64xbf16>, vector<64x256xbf16>, vector<512x256xf32> -> vector<512x256xf32>
    %add3A = arith.addf %dot_general3A_13, %dot_general3A_15 : vector<512x256xf32>
    %dot_general3A_16 = arith.constant dense<0.000000e+00> : vector<512x256xf32>
    %dot_general3A_17 = tpu.matmul %convert_element_type3A_12, %convert_element_type3A, %dot_general3A_16 {dimension_numbers = #tpu.dot_dimension_numbers<[1], [0], [0], [1], [0, 0, 1, 1], [], []>, transpose_lhs_hint = false} : vector<512x64xbf16>, vector<64x256xbf16>, vector<512x256xf32> -> vector<512x256xf32>
    %add3A_18 = arith.addf %add3A, %dot_general3A_17 : vector<512x256xf32>
    %mul3A = arith.mulf %get3A_6, %get3A_6 : vector<512x64xf32>
    %reduce_sum3A = arith.constant dense<0.000000e+00> : vector<512xf32>
    %reduce_sum3A_19 = vector.multi_reduction <add>, %mul3A, %reduce_sum3A [1] : vector<512x64xf32> to vector<512xf32>
    %broadcast_in_dim3A = vector.shape_cast %reduce_sum3A_19 : vector<512xf32> to vector<512x1xf32>
    %mul3A_20 = arith.constant 2.000000e+00 : f32
    %mul3A_21 = vector.broadcast %mul3A_20 : f32 to vector<512x256xf32>
    %mul3A_22 = arith.mulf %mul3A_21, %add3A_18 : vector<512x256xf32>
    %sub3A_23 = vector.broadcast %broadcast_in_dim3A : vector<512x1xf32> to vector<512x256xf32>
    %sub3A_24 = arith.subf %sub3A_23, %mul3A_22 : vector<512x256xf32>
    %reduce_min3A = arith.constant dense<0x7F800000> : vector<256xf32>
    %reduce_min3A_25 = vector.multi_reduction <minimumf>, %sub3A_24, %reduce_min3A [0] : vector<512x256xf32> to vector<256xf32>
    %broadcast_in_dim3A_26 = vector.shape_cast %reduce_min3A_25 : vector<256xf32> to vector<1x256xf32>
    %iota3A = tpu.iota {dimensions = array<i32: 0>} : vector<512x256xi32>
    %eq3A = vector.broadcast %broadcast_in_dim3A_26 : vector<1x256xf32> to vector<512x256xf32>
    %eq3A_27 = arith.cmpf oeq, %sub3A_24, %eq3A : vector<512x256xf32>
    %jit3A = arith.constant 512 : i32
    %broadcast_in_dim3A_28 = vector.broadcast %jit3A : i32 to vector<512x256xi32>
    %select_n3A = arith.select %eq3A_27, %iota3A, %broadcast_in_dim3A_28 : vector<512x256xi1>, vector<512x256xi32>
    %reduce_min3A_29 = arith.constant dense<2147483647> : vector<256xi32>
    %reduce_min3A_30 = vector.multi_reduction <minsi>, %select_n3A, %reduce_min3A_29 [0] : vector<512x256xi32> to vector<256xi32>
    %broadcast_in_dim3A_31 = vector.shape_cast %reduce_min3A_30 : vector<256xi32> to vector<1x256xi32>
    %swap3A = arith.constant 0 : index
    %swap3A_32 = arith.constant 0 : index
    %swap3A_33 = arith.constant 0 : index
    %swap3A_34 = vector.load %arg3[%swap3A, %swap3A_32, %swap3A_33] : memref<1x1x256xi32, #tpu.memory_space<vmem>>, vector<1x1x256xi32>
    %swap3A_35 = vector.shape_cast %swap3A_34 : vector<1x1x256xi32> to vector<1x256xi32>
    %swap3A_36 = vector.shape_cast %broadcast_in_dim3A_31 : vector<1x256xi32> to vector<1x1x256xi32>
    tpu.vector_store %arg3[%swap3A, %swap3A_32, %swap3A_33], %swap3A_36 {strides = array<i32>} : memref<1x1x256xi32, #tpu.memory_space<vmem>>, vector<1x1x256xi32>,
    return
  }
  func.func @transform_0(%arg0: i32) -> (i32, i32, i32) {
    %c0_i32 = arith.constant 0 : i32
    %c0_i32_0 = arith.constant 0 : i32
    %c0_i32_1 = arith.constant 0 : i32
    return %arg0, %c0_i32, %c0_i32_0 : i32, i32, i32
  }
  func.func @transform_1(%arg0: i32) -> (i32, i32) {
    %c0_i32 = arith.constant 0 : i32
    %c0_i32_0 = arith.constant 0 : i32
    %c0_i32_1 = arith.constant 0 : i32
    return %c0_i32, %c0_i32_0 : i32, i32
  }
  func.func @transform_2(%arg0: i32) -> (i32, i32, i32) {
    %c0_i32 = arith.constant 0 : i32
    %c0_i32_0 = arith.constant 0 : i32
    %c0_i32_1 = arith.constant 0 : i32
    return %arg0, %c0_i32, %c0_i32_0 : i32, i32, i32
  }
}

module attributes {stable_mosaic.version = 14 : i64} {
  func.func @_dist_body(%arg0: i32, %arg1: memref<1x64x256xf32, #tpu.memory_space<vmem>>, %arg2: memref<512x64xf32, #tpu.memory_space<vmem>>, %arg3: memref<1x256x512xf32, #tpu.memory_space<vmem>>) attributes {dimension_semantics = [#tpu.dimension_semantics<arbitrary>], iteration_bounds = array<i64: 8>, scalar_prefetch = 0 : i64, scratch_operands = 0 : i64, tpu.core_type = #tpu.core_type<tc>, window_params = [{transform_indices = @transform_0, window_bounds = array<i64: 1, 64, 256>}, {pipeline_mode = #tpu.pipeline_mode<synchronous>, transform_indices = @transform_1, window_bounds = array<i64: 512, 64>}, {transform_indices = @transform_2, window_bounds = array<i64: 1, 256, 512>}]} {
    %get3A = arith.constant 0 : index
    %get3A_0 = arith.constant 0 : index
    %get3A_1 = arith.constant 0 : index
    %get3A_2 = vector.load %arg1[%get3A, %get3A_0, %get3A_1] : memref<1x64x256xf32, #tpu.memory_space<vmem>>, vector<1x64x256xf32>
    %get3A_3 = vector.shape_cast %get3A_2 : vector<1x64x256xf32> to vector<64x256xf32>
    %mul3A = arith.mulf %get3A_3, %get3A_3 : vector<64x256xf32>
    %reduce_sum3A = arith.constant dense<0.000000e+00> : vector<256xf32>
    %reduce_sum3A_4 = vector.multi_reduction <add>, %mul3A, %reduce_sum3A [0] : vector<64x256xf32> to vector<256xf32>
    %broadcast_in_dim3A = vector.shape_cast %reduce_sum3A_4 : vector<256xf32> to vector<1x256xf32>
    %get3A_5 = arith.constant 0 : index
    %get3A_6 = arith.constant 0 : index
    %get3A_7 = arith.constant 0 : index
    %get3A_8 = vector.load %arg1[%get3A_5, %get3A_6, %get3A_7] : memref<1x64x256xf32, #tpu.memory_space<vmem>>, vector<1x64x256xf32>
    %get3A_9 = vector.shape_cast %get3A_8 : vector<1x64x256xf32> to vector<64x256xf32>
    %get3A_10 = arith.constant 0 : index
    %get3A_11 = arith.constant 0 : index
    %get3A_12 = vector.load %arg2[%get3A_10, %get3A_11] : memref<512x64xf32, #tpu.memory_space<vmem>>, vector<512x64xf32>
    %convert_element_type3A = arith.truncf %get3A_9 : vector<64x256xf32> to vector<64x256xbf16>
    %convert_element_type3A_13 = arith.extf %convert_element_type3A : vector<64x256xbf16> to vector<64x256xf32>
    %sub3A = arith.subf %get3A_9, %convert_element_type3A_13 : vector<64x256xf32>
    %convert_element_type3A_14 = arith.truncf %sub3A : vector<64x256xf32> to vector<64x256xbf16>
    %convert_element_type3A_15 = arith.truncf %get3A_12 : vector<512x64xf32> to vector<512x64xbf16>
    %convert_element_type3A_16 = arith.extf %convert_element_type3A_15 : vector<512x64xbf16> to vector<512x64xf32>
    %sub3A_17 = arith.subf %get3A_12, %convert_element_type3A_16 : vector<512x64xf32>
    %convert_element_type3A_18 = arith.truncf %sub3A_17 : vector<512x64xf32> to vector<512x64xbf16>
    %dot_general3A = arith.constant dense<0.000000e+00> : vector<512x256xf32>
    %dot_general3A_19 = tpu.matmul %convert_element_type3A_15, %convert_element_type3A, %dot_general3A {dimension_numbers = #tpu.dot_dimension_numbers<[1], [0], [0], [1], [0, 0, 1, 1], [], []>, transpose_lhs_hint = false} : vector<512x64xbf16>, vector<64x256xbf16>, vector<512x256xf32> -> vector<512x256xf32>
    %dot_general3A_20 = arith.constant dense<0.000000e+00> : vector<512x256xf32>
    %dot_general3A_21 = tpu.matmul %convert_element_type3A_15, %convert_element_type3A_14, %dot_general3A_20 {dimension_numbers = #tpu.dot_dimension_numbers<[1], [0], [0], [1], [0, 0, 1, 1], [], []>, transpose_lhs_hint = false} : vector<512x64xbf16>, vector<64x256xbf16>, vector<512x256xf32> -> vector<512x256xf32>
    %add3A = arith.addf %dot_general3A_19, %dot_general3A_21 : vector<512x256xf32>
    %dot_general3A_22 = arith.constant dense<0.000000e+00> : vector<512x256xf32>
    %dot_general3A_23 = tpu.matmul %convert_element_type3A_18, %convert_element_type3A, %dot_general3A_22 {dimension_numbers = #tpu.dot_dimension_numbers<[1], [0], [0], [1], [0, 0, 1, 1], [], []>, transpose_lhs_hint = false} : vector<512x64xbf16>, vector<64x256xbf16>, vector<512x256xf32> -> vector<512x256xf32>
    %add3A_24 = arith.addf %add3A, %dot_general3A_23 : vector<512x256xf32>
    %mul3A_25 = arith.mulf %get3A_12, %get3A_12 : vector<512x64xf32>
    %reduce_sum3A_26 = arith.constant dense<0.000000e+00> : vector<512xf32>
    %reduce_sum3A_27 = vector.multi_reduction <add>, %mul3A_25, %reduce_sum3A_26 [1] : vector<512x64xf32> to vector<512xf32>
    %broadcast_in_dim3A_28 = vector.shape_cast %reduce_sum3A_27 : vector<512xf32> to vector<512x1xf32>
    %mul3A_29 = arith.constant 2.000000e+00 : f32
    %mul3A_30 = vector.broadcast %mul3A_29 : f32 to vector<512x256xf32>
    %mul3A_31 = arith.mulf %mul3A_30, %add3A_24 : vector<512x256xf32>
    %sub3A_32 = vector.broadcast %broadcast_in_dim3A_28 : vector<512x1xf32> to vector<512x256xf32>
    %sub3A_33 = arith.subf %sub3A_32, %mul3A_31 : vector<512x256xf32>
    %add3A_34 = vector.broadcast %broadcast_in_dim3A : vector<1x256xf32> to vector<512x256xf32>
    %add3A_35 = arith.addf %sub3A_33, %add3A_34 : vector<512x256xf32>
    %transpose3A = tpu.transpose %add3A_35, [1, 0] : vector<512x256xf32> -> vector<256x512xf32>
    %swap3A = arith.constant 0 : index
    %swap3A_36 = arith.constant 0 : index
    %swap3A_37 = arith.constant 0 : index
    %swap3A_38 = vector.load %arg3[%swap3A, %swap3A_36, %swap3A_37] : memref<1x256x512xf32, #tpu.memory_space<vmem>>, vector<1x256x512xf32>
    %swap3A_39 = vector.shape_cast %swap3A_38 : vector<1x256x512xf32> to vector<256x512xf32>
    %swap3A_40 = vector.shape_cast %transpose3A : vector<256x512xf32> to vector<1x256x512xf32>
    tpu.vector_store %arg3[%swap3A, %swap3A_36, %swap3A_37], %swap3A_40 {strides = array<i32>} : memref<1x256x512xf32, #tpu.memory_space<vmem>>, vector<1x256x512xf32>,
    return
  }
  func.func @transform_0(%arg0: i32) -> (i32, i32, i32) {
    %c0_i32 = arith.constant 0 : i32
    %c0_i32_0 = arith.constant 0 : i32
    %c0_i32_1 = arith.constant 0 : i32
    return %arg0, %c0_i32, %c0_i32_0 : i32, i32, i32
  }
  func.func @transform_1(%arg0: i32) -> (i32, i32) {
    %c0_i32 = arith.constant 0 : i32
    %c0_i32_0 = arith.constant 0 : i32
    %c0_i32_1 = arith.constant 0 : i32
    return %c0_i32, %c0_i32_0 : i32, i32
  }
  func.func @transform_2(%arg0: i32) -> (i32, i32, i32) {
    %c0_i32 = arith.constant 0 : i32
    %c0_i32_0 = arith.constant 0 : i32
    %c0_i32_1 = arith.constant 0 : i32
    return %arg0, %c0_i32, %c0_i32_0 : i32, i32, i32
  }
}

</mosaic_0001>

<sc_bundles>
// kernel: kernel.5.cloned.1.call-start
scs
__scs_entry_jumppad:
0x0: {  	(pc) =	sbr.rel $0x88, $3  }
0x1: {  	(tag) =	ssettag $0x0;
	lr =	simm.s32 $0x1  }
0x2: {  	[smem:$0x3F9F] =	sst lr;
	_ =	strace $0xD0000000  }
0x3: {  	_ = 	snop  }
0x4: {  	_ = 	snop  }
0x5: {  	_ = 	snop  }
0x6: {  	_ = 	snop  }
0x7: {  	_ = 	snop  }
__scs_overlays_trampoline_lowered:
0x8: {  	[smem:$0x3FAE] =	sst s0  }
0x9: {  	[smem:$0x3FAF] =	sst s1  }
0xa: {  	[smem:$0x3FB0] =	sst s2  }
0xb: {  	[smem:$0x3FB1] =	sst s3  }
0xc: {  	[smem:$0x3FB2] =	sst s4  }
0xd: {  	[smem:$0x3FB3] =	sst s5  }
0xe: {  	[smem:$0x3FB4] =	sst s6  }
0xf: {  	[smem:$0x3FB5] =	sst s7  }
0x10: {  	[smem:$0x3FB6] =	sst s8  }
0x11: {  	[smem:$0x3FB7] =	sst s9;
	s0 =	simm.s32 @!p0 $0x0  }
0x12: {  	s1 =	sld [smem:$0x3F9D];
	s0 =	simm.s32 @p0 $0x1  }
0x13: {  	[smem:$0x3FB8] =	sst s0;
	s0 =	simm.s32 @!p1 $0x0  }
0x14: {  	s2 =	sld [smem:$0x3F9C];
	s0 =	simm.s32 @p1 $0x1  }
0x15: {  	[smem:$0x3FB9] =	sst s0;
	s0 =	simm.s32 @!p2 $0x0  }
0x16: {  	s3 =	sld [smem:$0x3FDB];
	s0 =	simm.s32 @p2 $0x1  }
0x17: {  	s4 =	simm.s32 $0x1BF5;
	[smem:$0x3FBB] =	sst s0  }
0x18: {  	s0 =	sld [smem:$0x3F9E];
	_ =	swait.ge [sflag:s4], $0x0  }
0x19: {  	s7 =	sld [smem:$0x3F9F]  }
0x1a: {  	s8 =	sadd.s32 $0xFFFFE003, lr  }
0x1b: {  	s9 =	sadd.s32 $0xFFFFFEF7, lr;
	s5 =	simm.s32 $0xFFFFFFFF;
	p2 =	slt.u32 s8, $0xFFFFF086  }
0x1c: {  	p1 =	slt.u32 s9, $0xF7A;
	s5 =	simm.s32 @!p2 $0x0  }
0x1d: {  	s5 =	simm.s32 @p1 $0x1;
	p0 =	seq.s32 s7, s2  }
0x1e: {  	s7 =	smul.u32 @!p0 $0xF7A, s2;
	p2 =	seq.s32 @!p0 s5, $0x0  }
0x1f: {  	s9 =	smul.u32 $0xF7A, s1;
	s8 =	simm.s32 @!p0 $0x1BF5;
	p2 =	por !p2, p0  }
0x20: {  	[sflag:s8] =	ssyncset.s32 @!p0 $0xFFFFF086;
	s6 =	sadd.s32 @!p0 s3, s7;
	s7 =	simm.s32 @!p0 $0x108  }
0x21: {  	s3 =	sadd.s32 s3, s9;
	s6 =	sadd.s32 @!p0 $0x88, s6;
	s7 =	simm.s32 @p2 $0x1082  }
0x22: {  	[simem:s7], [sflag:s8] =	dma.local @!p0 [hbm:s6], $0xF7A  }
0x23: {  	s9 =	sor.u32 $0xD0000000, s2;
	s6 =	simm.s32 $0x108;
	_ =	swait.ge @!p0 [sflag:s8], $0x0  }
0x24: {  	s3 =	sadd.s32 $0x88, s3;
	s6 =	simm.s32 @!p1 $0x1082;
	[sflag:s4] =	ssyncset.s32 $0xFFFFF086  }
0x25: {  	[simem:s6], [sflag:s4] =	dma.local [hbm:s3], $0xF7A  }
0x26: {  	[smem:$0x3F9F] =	sst s1;
	(tag) =	ssettag s2;
	_ =	strace s9  }
0x27: {  	s1 =	sld [smem:$0x3FAF]  }
0x28: {  	s2 =	sld [smem:$0x3FB0]  }
0x29: {  	s4 =	sld [smem:$0x3FB2]  }
0x2a: {  	p0 =	seq.s32 s5, $0x0;
	s5 =	sld [smem:$0x3FB3]  }
0x2b: {  	s6 =	sld [smem:$0x3FB4]  }
0x2c: {  	s7 =	sld [smem:$0x3FB5]  }
0x2d: {  	s3 =	simm.s32 $0x108;
	s8 =	sld [smem:$0x3FB6]  }
0x2e: {  	s3 =	simm.s32 @!p0 $0x1082;
	s9 =	sld [smem:$0x3FB7]  }
0x2f: {  	lr =	sadd.s32 s0, s3;
	s0 =	sld [smem:$0x3FAE]  }
0x30: {  	s3 =	sld [smem:$0x3FB1]  }
0x31: {  	[smem:$0x3FBA] =	sst s10  }
0x32: {  	s10 =	sld [smem:$0x3FB8];
	_ =	sdelay $0x3  }
0x33: {  	p0 =	seq.s32 s10, $0x1;
	s10 =	sld [smem:$0x3FBA];
	_ =	sdelay $0x3  }
0x34: {  	[smem:$0x3FBA] =	sst s10  }
0x35: {  	s10 =	sld [smem:$0x3FB9];
	_ =	sdelay $0x3  }
0x36: {  	p1 =	seq.s32 s10, $0x1;
	s10 =	sld [smem:$0x3FBA];
	_ =	sdelay $0x3  }
0x37: {  	[smem:$0x3FBA] =	sst s10  }
0x38: {  	s10 =	sld [smem:$0x3FBB]  }
0x39: {  	_ = 	snop;
	(pc) =	sbr.ind lr, $3  }
0x3a: {  	_ = 	snop  }
0x3b: {  	_ = 	snop  }
0x3c: {  	p2 =	seq.s32 s10, $0x1;
	s10 =	sld [smem:$0x3FBA]  }
0x3d: {  	_ =	shalt  }
0x3e: {  	_ =	shalt  }
0x3f: {  	_ =	shalt  }
0x40: {  	_ =	shalt  }
0x41: {  	_ =	shalt  }
0x42: {  	_ =	shalt  }
0x43: {  	_ =	shalt  }
0x44: {  	_ =	shalt  }
0x45: {  	_ =	shalt  }
0x46: {  	_ =	shalt  }
0x47: {  	_ =	shalt  }
0x48: {  	_ =	shalt  }
0x49: {  	_ =	shalt  }
0x4a: {  	_ =	shalt  }
0x4b: {  	_ =	shalt  }
0x4c: {  	_ =	shalt  }
0x4d: {  	_ =	shalt  }
0x4e: {  	_ =	shalt  }
0x4f: {  	_ =	shalt  }
0x50: {  	_ =	shalt  }
0x51: {  	_ =	shalt  }
0x52: {  	_ =	shalt  }
0x53: {  	_ =	shalt  }
0x54: {  	_ =	shalt  }
0x55: {  	_ =	shalt  }
0x56: {  	_ =	shalt  }
0x57: {  	_ =	shalt  }
0x58: {  	_ =	shalt  }
0x59: {  	_ =	shalt  }
0x5a: {  	_ =	shalt  }
0x5b: {  	_ =	shalt  }
0x5c: {  	_ =	shalt  }
0x5d: {  	_ =	shalt  }
0x5e: {  	_ =	shalt  }
0x5f: {  	_ =	shalt  }
0x60: {  	_ =	shalt  }
0x61: {  	_ =	shalt  }
0x62: {  	_ =	shalt  }
0x63: {  	_ =	shalt  }
0x64: {  	_ =	shalt  }
0x65: {  	_ =	shalt  }
0x66: {  	_ =	shalt  }
0x67: {  	_ =	shalt  }
0x68: {  	_ =	shalt  }
0x69: {  	_ =	shalt  }
0x6a: {  	_ =	shalt  }
0x6b: {  	_ =	shalt  }
0x6c: {  	_ =	shalt  }
0x6d: {  	_ =	shalt  }
0x6e: {  	_ =	shalt  }
0x6f: {  	_ =	shalt  }
0x70: {  	_ =	shalt  }
0x71: {  	_ =	shalt  }
0x72: {  	_ =	shalt  }
0x73: {  	_ =	shalt  }
0x74: {  	_ =	shalt  }
0x75: {  	_ =	shalt  }
0x76: {  	_ =	shalt  }
0x77: {  	_ =	shalt  }
0x78: {  	_ =	shalt  }
0x79: {  	_ =	shalt  }
0x7a: {  	_ =	shalt  }
0x7b: {  	_ =	shalt  }
0x7c: {  	_ =	shalt  }
0x7d: {  	_ =	shalt  }
0x7e: {  	_ =	shalt  }
0x7f: {  	_ =	shalt  }
0x80: {  	_ =	shalt  }
0x81: {  	_ =	shalt  }
0x82: {  	_ =	shalt  }
0x83: {  	_ =	shalt  }
0x84: {  	_ =	shalt  }
0x85: {  	_ =	shalt  }
0x86: {  	_ =	shalt  }
0x87: {  	_ =	shalt  }
.Lfunc_end0:
.L_simem_size_0:
called_computation_lowered:
.L_overlay_start_0:
0x88: {  	s2 =	sld [smem:$0x3FD9]  }
0x89: {  	s3 =	sld [smem:$0x3FFE];
	_ =	sdelay $0x1  }
0x8a: {  	s1 =	srdreg.scid  }
0x8b: {  	s0 =	sand.u32 $0x1, s1  }
0x8c: {  	s14 =	sshll.u32 s0, $0xA;
	s2 =	sadd.s32 s3, s2  }
0x8d: {  	s2 =	sadd.s32 s2, s14  }
0x8e: {  	[smem:$0x3FC6] =	sst s2  }
0x8f: {  	_ = 	snop  }
0x90: {  	s2 =	sld [smem:$0x3FD0];
	_ =	sdelay $0x2  }
0x91: {  	s15 =	simm.s32 $0xA;
	s4 =	simm.s32 $0x10  }
0x92: {  	[smem:s4], [sflag:s15] =	dma.local [hbm:s2], $0x1  }
0x93: {  	_ =	swait.eq [sflag:s15], $0x1  }
0x94: {  	[sflag:s15] =	ssyncset.done $0x0  }
0x95: {  	[sflag:s15] =	ssyncadd.s32 $0xFFFFFFFF  }
0x96: {  	s16 =	sld [smem:$0x10];
	(tm) =	ssettm $0x1  }
0x97: {  	s17 =	sld [smem:$0x3FFB];
	_ =	sdelay $0x3  }
0x98: {  	_ =	strace s17  }
0x99: {  	s3 =	sld [smem:$0x3FFC];
	_ =	sdelay $0x3  }
0x9a: {  	_ =	strace s3  }
0x9b: {  	s3 =	sld [smem:$0x3FFD];
	_ =	sdelay $0x3  }
0x9c: {  	_ =	strace s3  }
0x9d: {  	_ =	strace $0x8FFFFFFF  }
0x9e: {  	s18 =	sld [smem:$0x3FDB];
	_ =	sdelay $0x1  }
0x9f: {  	s19 =	simm.s32 $_scs_section_size  }
0xa0: {  	s5 =	simm.s32 $_size__tile_overlayer_lowered;
	s6 =	simm.s32 $_tile_overlayer_lowered  }
0xa1: {  	s22 =	simm.s32 $0x1BFF;
	s21 =	sshll.u32 s6, $0x1;
	s3 =	sadd.s32 s19, s18  }
0xa2: {  	s7 =	simm.s32 $0x0;
	s20 =	sshll.u32 s5, $0x1;
	s5 =	sadd.s32 s21, s3  }
0xa3: {  	[timem:s7], [sflag:s22] =	dma.local [hbm:s5], s20  }
0xa4: {  	_ =	swait.ge [sflag:s22], s20  }
0xa5: {  	s4 =	ssub.s32 $0x0, s20;
	[sflag:s22] =	ssyncset.done $0x0  }
0xa6: {  	[sflag:s22] =	ssyncadd.s32 s4;
	_ =	sdelay $0x1  }
0xa7: {  	s23 =	simm.s32 $0x1B8B  }
0xa8: {  	_ =	swait.ge [sflag:s23], $0x1  }
0xa9: {  	[sflag:s23] =	ssyncset.done $0x0  }
0xaa: {  	s25 =	simm.s32 $0x1B8E;
	s24 =	sld [smem:$0x3FFE];
	[sflag:s23] =	ssyncadd.s32 $0xFFFFFFFF  }
0xab: {  	s26 =	simm.s32 $execute0_lowered;
	[smem:$0x3FD2] =	sst s25  }
0xac: {  	s5 =	sshll.u32 s26, $0x1;
	_ =	strace $0x80000046;
	[dreg:$0x1] =	wrdreg $0xFFFFFFFF  }
0xad: {  	s28 =	simm.s32 $_size_execute0_lowered;
	s3 =	sadd.s32 s3, s5;
	[dreg:$0x0] =	wrdreg $0x0  }
0xae: {  	s5 =	sshll.u32 s28, $0x1;
	[dreg:$0x2] =	wrdreg s3  }
0xaf: {  	[dreg:$0x3] =	wrdreg s5  }
0xb0: {  	[dreg:$0x4] =	wrdreg $0xC0  }
0xb1: {  	_ =	task [dreg:s7], $0x5FFFF  }
0xb2: {  	[dreg:$0x1] =	wrdreg $0xFFFFFFFF  }
0xb3: {  	[dreg:$0x0] =	wrdreg $0x60  }
0xb4: {  	[dreg:$0x2] =	wrdreg s16  }
0xb5: {  	[dreg:$0x3] =	wrdreg s24  }
0xb6: {  	[dreg:$0x4] =	wrdreg $0x9  }
0xb7: {  	_ =	task.clear_ibuf [dreg:s7], $0x5FFFF;
	_ =	strace $0x90000046  }
0xb8: {  	s29 =	simm.s32 $0x9;
	_ =	strace $0x80000048  }
0xb9: {  	_ =	swait.ge [sflag:s29], $0x1  }
0xba: {  	[sflag:s29] =	ssyncadd.s32 $0xFFFFFFFF  }
0xbb: {  	_ =	strace $0x90000048  }
0xbc: {  	_ =	sfence  }
0xbd: {  	s30 =	sld [smem:$0x0];
	_ =	sdelay $0x2  }
0xbe: {  	s31 =	sshll.u32 s1, $0xD;
	s1 =	sshrl.u32 s1, $0x2  }
0xbf: {  	s3 =	sand.u32 $0x4000, s31;
	s1 =	sadd.s32 s1, s30  }
0xc0: {  	s0 =	sor.u32 s3, s0;
	s1 =	sshll.u32 s1, $0x11  }
0xc1: {  	s0 =	sor.u32 s1, s0  }
0xc2: {  	s0 =	sadd.s32 $0x8F2B, s0  }
0xc3: {  	[sflag:s0] =	ssyncadd.remote.s32 $0x1  }
0xc4: {  	_ =	sfence.sel $0xFFFF  }
0xc5: {  	[dreg:$0x0] =	wrdreg $0xFFFFFFFF;
	(pc) =	sbr.abs _section_cstart, $3  }
0xc6: {  	[dreg:$0x1] =	wrdreg $0xFFFFFFFF  }
0xc7: {  	_ =	task.clear_ibuf [dreg:s7], $0x2FFFF;
	_ =	strace $0x9FFFFFFF  }
0xc8: {  	(tm) =	ssettm $0x7FFFFFFF  }
0xc9: {  	_ =	shalt  }
tec
execute0_lowered:
.L_overlay_start_1:
0x0: {  	(tag) =	ssettag $0x1  }
0x1: {  	s1 =	rddreg [dreg:$0x0]  }
0x2: {  	s4 =	rddreg [dreg:$0x1]  }
0x3: {  	s0 =	rddreg [dreg:$0x2]  }
0x4: {  	s3 =	simm.s32 $0x0;
	s5 =	srdreg.scid;
	s2 =	stileid.u32  }
0x5: {  	s10 =	simm.s32 $0x100;
	s11 =	simm.s32 $0x1040;
	s12 =	simm.s32 $0x0  }
0x6: {  	[smem:$0x7FF] =	sst s3;
	s5 =	sand.u32 $0x1, s5;
	s6 =	sshll.u32 s2, $0x4  }
0x7: {  	s8 =	sshll.u32 s2, $0xA;
	_ =	strace $0x80000047;
	s7 =	sshll.u32 s5, $0x3  }
0x8: {  	s28 =	sand.u32 $0x3800, s8;
	s5 =	ssub.s32 $0x2, s5;
	s8 =	simm.s32 $0x40  }
0x9: {  	v0 =	vlaneseq.u32;
	s6 =	sor.u32 s7, s6;
	s7 =	sadd.s32 s28, s4;
	s29 =	sshrl.u32 s5, $0x1  }
0xa: {  	v0 =	vmul.u32 $0x40, v0;
	s9 =	sand.u32 $0x18, s6;
	s4 =	sadd.s32 s6, s4;
	s30 =	ssub.s32 s5, s29  }
0xb: {  	s31 =	sadd.s32 s9, s7;
	s4 =	sadd.s32 $0x800, s4;
	s6 =	smax.u32 s30, $0x1  }
0xc: {  	v1 =	vor.u32 $0x400, v0;
	v2 =	vor.u32 $0x800, v0;
	v3 =	vor.u32 $0xC00, v0;
	s7 =	simm.s32 $0x2;
	s9 =	simm.s32 $0x1;
	s5 =	sadd.s32 $0xA00, s31  }
.LBB2_1:
0xd: {  	v4 =	vmov s3  }
0xe: {  	[tilespmem:s3], [sflag:$0x2] =	stream.linear.gather [hbm4b:s4+s3], $0x40, $0x38;
	v4 =	vand.u32 $0x3F, v4;
	[tilespmem:$0x2040] =	vst v63  }
0xf: {  	_ =	swait.ge [sflag:s7], $0x40;
	v4 =	vbroadcast v4, $0x0  }
0x10: {  	[sflag:s7] =	ssyncset.done $0x0  }
0x11: {  	[sflag:s7] =	ssyncadd.s32 $0xFFFFFFC0;
	v5 =	vor.u32 v0, v4  }
0x12: {  	[tilespmem:s8], [sflag:$0x1] =	stream.indirect.gather [hbm4b:s1+s8], $0x40, s3, s8, $0xb8;
	[tilespmem:$0x2040] =	vst v63  }
0x13: {  	_ =	swait.ge [sflag:s9], $0x1000  }
0x14: {  	[sflag:s9] =	ssyncset.done $0x0  }
0x15: {  	[sflag:s9] =	ssyncadd.s32 $0xFFFFF000  }
0x16: {  	v5 =	vld.idx.msk [tilespmem:v5+s8+$0x0], $0xffff  }
0x17: {  	v6 =	vor.u32 v1, v4;
	_ =	sdelay $0x2  }
0x18: {  	s13 =	simm.s32 $0x1060  }
0x19: {  	[tilespmem:s13+$0xFFFFFFE0] =	vst v5  }
0x1a: {  	v5 =	vld.idx.msk [tilespmem:v6+s8+$0x0], $0xffff  }
0x1b: {  	v6 =	vor.u32 v2, v4;
	_ =	sdelay $0x3  }
0x1c: {  	[tilespmem:s13+$0xFFFFFFF0] =	vst v5  }
0x1d: {  	v5 =	vld.idx.msk [tilespmem:v6+s8+$0x0], $0xffff  }
0x1e: {  	v4 =	vor.u32 v3, v4;
	_ =	sdelay $0x1  }
0x1f: {  	s14 =	simm.s32 $0x1  }
0x20: {  	v6 =	vmov s14;
	s14 =	simm.s32 $0x2  }
.LBB2_2:
0x21: {  	p0 =	sne.s32 s14, $0x3F;
	v6 =	vand.u32 $0x3F, v6;
	[tilespmem:s13+$0x0] =	vst v5  }
0x22: {  	v6 =	vbroadcast v6, $0x0;
	v4 =	vld.idx.msk [tilespmem:v4+s8+$0x0], $0xffff;
	_ =	sdelay $0x1  }
0x23: {  	v5 =	vor.u32 v0, v6;
	_ =	sdelay $0x3  }
0x24: {  	[tilespmem:s13+$0x10] =	vst v4  }
0x25: {  	v4 =	vld.idx.msk [tilespmem:v5+s8+$0x0], $0xffff;
	_ =	sdelay $0x1  }
0x26: {  	v5 =	vor.u32 v1, v6;
	_ =	sdelay $0x2  }
0x27: {  	s13 =	sadd.s32 $0x40, s13  }
0x28: {  	[tilespmem:s13+$0xFFFFFFE0] =	vst v4  }
0x29: {  	v4 =	vld.idx.msk [tilespmem:v5+s8+$0x0], $0xffff;
	_ =	sdelay $0x1  }
0x2a: {  	v5 =	vor.u32 v2, v6;
	_ =	sdelay $0x3  }
0x2b: {  	[tilespmem:s13+$0xFFFFFFF0] =	vst v4  }
0x2c: {  	v5 =	vld.idx.msk [tilespmem:v5+s8+$0x0], $0xffff  }
.Ltmp0:
0x2d: {  	(pc) =	sbr.rel @p0 .LBB2_2-.Ltmp0, $2  }
0x2e: {  	v4 =	vor.u32 v3, v6;
	_ =	sdelay $0x2  }
0x2f: {  	v6 =	vmov s14;
	s14 =	sadd.s32 $0x1, s14  }
0x30: {  	_ =	sdelay $0x1  }
0x31: {  	v6 =	vand.u32 $0x3F, v6  }
0x32: {  	[tilespmem:s13+$0x0] =	vst v5;
	v5 =	vbroadcast v6, $0x0  }
0x33: {  	v4 =	vld.idx.msk [tilespmem:v4+s8+$0x0], $0xffff  }
0x34: {  	v6 =	vor.u32 v0, v5;
	_ =	sdelay $0x3  }
0x35: {  	[tilespmem:s13+$0x10] =	vst v4  }
0x36: {  	v4 =	vld.idx.msk [tilespmem:v6+s8+$0x0], $0xffff  }
0x37: {  	v62 =	vor.u32 v1, v5;
	_ =	sdelay $0x2  }
0x38: {  	s31 =	sadd.s32 $0x40, s13  }
0x39: {  	[tilespmem:s31+$0xFFFFFFE0] =	vst v4  }
0x3a: {  	v4 =	vld.idx.msk [tilespmem:v62+s8+$0x0], $0xffff  }
0x3b: {  	v63 =	vor.u32 v2, v5;
	_ =	sdelay $0x3  }
0x3c: {  	[tilespmem:s31+$0xFFFFFFF0] =	vst v4  }
0x3d: {  	v4 =	vld.idx.msk [tilespmem:v63+s8+$0x0], $0xffff  }
0x3e: {  	v5 =	vor.u32 v3, v5;
	_ =	sdelay $0x3  }
0x3f: {  	[tilespmem:s31+$0x0] =	vst v4  }
0x40: {  	v4 =	vld.idx.msk [tilespmem:v5+s8+$0x0], $0xffff;
	_ =	sdelay $0x2  }
0x41: {  	s12 =	sadd.s32 $0x1, s12  }
0x42: {  	p0 =	sne.s32 s12, s6  }
.Ltmp1:
0x43: {  	[tilespmem:s31+$0x10] =	vst v4;
	(pc) =	sbr.rel @p0 .LBB2_1-.Ltmp1, $4  }
0x44: {  	[hbm4b:s5+s8] =	stream.strided.scatter [tilespmem:s11], [sflag:$0x2], $0x1000, s10, s8, $0x38;
	[tilespmem:$0x2040] =	vst v63  }
0x45: {  	_ =	swait.ge [sflag:s7], $0x1000  }
0x46: {  	[sflag:s7] =	ssyncset.done $0x0  }
0x47: {  	[sflag:s7] =	ssyncadd.s32 $0xFFFFF000  }
0x48: {  	_ =	sfence.sel $0x180000  }
0x49: {  	[bflag:$0x0] =	sbarrier.arrive $0xFFFF  }
0x4a: {  	p0 =	sne.s32 s2, $0x0;
	_ =	strace $0x90000047  }
0x4b: {  	s0 =	sadd.s32 @!p0 $0x100000, s0;
	[bflag:$0x2] =	sbarrier.arrive $0xFFFF  }
0x4c: {  	[sflag:s0] =	ssyncadd.tile.s32 @!p0 $0x1;
	_ =	shalt  }
.Lfunc_end2:
_tile_overlayer_lowered:
.L_overlay_start_2:
0x4d: {  	(tag) =	ssettag $0x2  }
0x4e: {  	s0 =	rddreg [dreg:$0x0];
	s2 =	stileid.u32  }
0x4f: {  	s1 =	rddreg [dreg:$0x1];
	p0 =	sne.s32 s2, $0x0  }
0x50: {  	s3 =	rddreg [dreg:$0x2];
	[bflag:$0x3] =	sbarrier.arrive $0xFFFF;
	s2 =	simm.s32 @!p0 $0x1C02  }
0x51: {  	[timem:s3], [sflag:s2] =	dma.local @!p0 [hbm:s0], s1  }
0x52: {  	s0 =	simm.s32 @!p0 $0x2  }
0x53: {  	_ =	swait.ge @!p0 [sflag:s0], s1  }
0x54: {  	s1 =	ssub.s32 @!p0 $0x0, s1;
	[sflag:s0] =	ssyncset.done @!p0 $0x0  }
0x55: {  	[sflag:s0] =	ssyncadd.s32 @!p0 s1  }
0x56: {  	[bflag:$0x3] =	sbarrier.arrive $0xFFFF  }
0x57: {  	_ =	shalt  }

</sc_bundles>
